<compile_context>
chip_gen: v7x
topology: tpu7x:2x2x1
jax: 0.10.2.dev20260603
libtpu: 0.0.44.dev20260713+nightly
codegen_flags: <defaults>
</compile_context>

<pallas_src>
import functools

import jax
import jax.numpy as jnp
from jax import lax
from jax.experimental import pallas as pl
from jax.experimental.pallas import tpu as pltpu
from jax.experimental.pallas import tpu_sc as plsc

K_ANCH = 100000
D = 768
BQ = 64
T = 512
TOPK = 16
BLK = 2048
NB = (K_ANCH + BLK - 1) // BLK
NX = 32
XB = T // NX
IMIN = jnp.iinfo(jnp.int32).min
NEG = -3.0e38
LOW = 4096 - 1


def _mono(f):
    b = lax.bitcast_convert_type(f, jnp.int32)
    return jnp.where(b < 0, b ^ 0x7FFFFFFF, b)


def _unmono(b):
    return lax.bitcast_convert_type(
        jnp.where(b < 0, b ^ 0x7FFFFFFF, b), jnp.float32
    )


def _insert_body(out_ref, g_ref, o_ref):
    del out_ref
    o_ref[...] = g_ref[...].reshape(o_ref.shape)


def _main_body(a_ref, x_ref, o_ref, out_ref, qs_ref, rv_ref, ri_ref):
    i = pl.program_id(0)

    @pl.when(i < NX)
    def _phase1():
        x = x_ref[...]
        out_ref[...] = x
        s = jnp.sum(x, axis=1)
        qs_ref[...] = jnp.where(i == 0, s, qs_ref[...] + s)

    @pl.when(i >= NX)
    def _phase2():
        j = i - NX

        @pl.when(j == 0)
        def _init():
            rv_ref[...] = jnp.full((BQ, TOPK), NEG, jnp.float32)
            ri_ref[...] = jnp.zeros((BQ, TOPK), jnp.int32)

        a = a_ref[...]
        ss = jnp.sum(a * a, axis=1)
        inv = lax.rsqrt(jnp.maximum(ss, 1e-24))
        ab = a.astype(jnp.bfloat16)
        qb = qs_ref[...].astype(jnp.bfloat16)
        raw = lax.dot_general(
            qb, ab, (((1,), (1,)), ((), ())),
            preferred_element_type=jnp.float32,
        )
        sims = raw * inv[None, :]
        col = lax.broadcasted_iota(jnp.int32, (BQ, BLK), 1)
        sims = jnp.where(j * BLK + col < K_ANCH, sims, NEG)

        bkeys = (_mono(sims) & ~LOW) | (2047 - col)
        pos = lax.broadcasted_iota(jnp.int32, (BQ, TOPK), 1)
        rkeys = (_mono(rv_ref[...]) & ~LOW) | (2175 - pos)
        pad = jnp.concatenate(
            [rkeys, jnp.full((BQ, 128 - TOPK), IMIN, jnp.int32)], axis=1
        )
        keys = jnp.concatenate([pad, bkeys], axis=1)

        bks = []
        for _ in range(TOPK):
            m = jnp.max(keys, axis=1, keepdims=True)
            keys = jnp.where(keys == m, IMIN, keys)
            bks.append(m)
        bk = jnp.concatenate(bks, axis=1)

        lanes = 2175 - (bk & LOW)
        is_blk = lanes >= 128
        idx_blk = j * BLK + (lanes - 128)
        ri = ri_ref[...]
        idx_run = jnp.zeros((BQ, TOPK), jnp.int32)
        for t in range(TOPK):
            idx_run = jnp.where(lanes == t, ri[:, t : t + 1], idx_run)
        ri_ref[...] = jnp.where(is_blk, idx_blk, idx_run)
        rv_ref[...] = _unmono(bk & ~LOW)

        @pl.when(j == NB - 1)
        def _emit():
            o_ref[...] = jnp.concatenate(
                [ri_ref[...], jnp.zeros((BQ, 128 - TOPK), jnp.int32)],
                axis=1,
            )


def _sc_gather(table, idx_flat):
    n = idx_flat.shape[0]
    bpw = n // 32
    mesh = plsc.VectorSubcoreMesh(core_axis_name="c", subcore_axis_name="s")

    @functools.partial(
        pl.kernel,
        mesh=mesh,
        out_type=jax.ShapeDtypeStruct((n, D), jnp.float32),
        scratch_types=[
            pltpu.VMEM((bpw,), jnp.int32),
            pltpu.VMEM((bpw, D), jnp.float32),
            pltpu.SemaphoreType.DMA,
        ],
    )
    def k(table_hbm, idx_hbm, out_hbm, idx_v, rows_v, sem):
        wid = lax.axis_index("s") * 2 + lax.axis_index("c")
        base = wid * bpw
        pltpu.sync_copy(idx_hbm.at[pl.ds(base, bpw)], idx_v)
        pltpu.async_copy(table_hbm.at[idx_v], rows_v, sem).wait()
        pltpu.sync_copy(rows_v, out_hbm.at[pl.ds(base, bpw)])

    return k(table, idx_flat)


@jax.jit
def kernel(x, anchors):
    idx_pad, outbuf = pl.pallas_call(
        _main_body,
        grid=(NX + NB,),
        in_specs=[
            pl.BlockSpec((BLK, D), lambda i: (jnp.maximum(i - NX, 0), 0)),
            pl.BlockSpec(
                (BQ, XB, D), lambda i: (0, jnp.minimum(i, NX - 1), 0)
            ),
        ],
        out_specs=[
            pl.BlockSpec((BQ, 128), lambda i: (0, 0)),
            pl.BlockSpec(
                (BQ, XB, D), lambda i: (0, jnp.minimum(i, NX - 1) + 1, 0)
            ),
        ],
        out_shape=[
            jax.ShapeDtypeStruct((BQ, 128), jnp.int32),
            jax.ShapeDtypeStruct((BQ, T + TOPK, D), jnp.float32),
        ],
        scratch_shapes=[
            pltpu.VMEM((BQ, D), jnp.float32),
            pltpu.VMEM((BQ, TOPK), jnp.float32),
            pltpu.VMEM((BQ, TOPK), jnp.int32),
        ],
    )(anchors, x)

    idx_flat = idx_pad[:, :TOPK].reshape(BQ * TOPK)
    gathered = _sc_gather(anchors, idx_flat)

    return pl.pallas_call(
        _insert_body,
        grid=(16,),
        in_specs=[
            pl.BlockSpec((4, TOPK, D), lambda i: (i, 0, 0)),
            pl.BlockSpec((4 * TOPK, D), lambda i: (i, 0)),
        ],
        out_specs=pl.BlockSpec((4, TOPK, D), lambda i: (i, 0, 0)),
        out_shape=jax.ShapeDtypeStruct((BQ, T + TOPK, D), jnp.float32),
        input_output_aliases={0: 0},
    )(outbuf, gathered)

# --- scband reference (transcript-rebuilt; emitter-appended) ---
"""Pipeline reference for scband-semantic-space-informed-prompting-88914412962027 (READ-ONLY COPY).

The authoritative reference and input builder live on the scoring server;
editing this copy changes nothing except your own understanding.
"""

import jax, jax.numpy as jnp
import numpy as np

K_ANCHORS = 100000
D_MODEL = 768
TOP_K = 16

def setup_inputs(seed: int = 0) -> dict:
    key = jax.random.key(seed)
    k1, k2 = jax.random.split(key)
    x = jax.random.normal(k1, (64, 512, D_MODEL), dtype=jnp.float32)
    anchors = jax.random.normal(k2, (K_ANCHORS, D_MODEL), dtype=jnp.float32) * 0.02
    return {"x": x, "anchors": anchors}

def _l2_normalize(v, axis, eps=1e-12):
    n = jnp.linalg.norm(v, ord=2, axis=axis, keepdims=True)
    return v / jnp.maximum(n, eps)

def reference(x, anchors):
    # embedding_key == 'mean'
    query = x.mean(axis=1)                       # [B, D]
    query_norm = _l2_normalize(query, axis=1)    # F.normalize(p=2, dim=1)
    anchors_norm = _l2_normalize(anchors, axis=1)
    similarity = jnp.matmul(query_norm, anchors_norm.T)   # [B, K]
    _, top_k_indices = jax.lax.top_k(similarity, TOP_K)   # [B, top_k]
    selected_anchors = anchors[top_k_indices]             # [B, top_k, D]
    prompted_embedding = jnp.concatenate([selected_anchors, x], axis=1)
    return prompted_embedding

if __name__ == "__main__":
    import jax
    _d = setup_inputs()
    print(jax.jit(kernel)(*tuple(_d.values())))

</pallas_src>

<mosaic_0001>
#map = affine_map<(d0, d1) -> (0, 0)>
#map1 = affine_map<(d0, d1) -> (0)>
module attributes {stable_mosaic.version = 14 : i64} {
  func.func @k(%arg0: i32, %arg1: i32, %arg2: memref<100000x768xf32, #tpu.memory_space<hbm>>, %arg3: memref<1024xi32, #tpu.memory_space<hbm>>, %arg4: memref<1024x768xf32, #tpu.memory_space<hbm>>, %arg5: memref<32xi32, #tpu.memory_space<vmem>>, %arg6: memref<32x768xf32, #tpu.memory_space<vmem>>, %arg7: memref<!tpu.dma_semaphore, #tpu.memory_space<semaphore_mem>>) attributes {dimension_semantics = [#tpu.dimension_semantics<core_parallel>, #tpu.dimension_semantics<subcore_parallel>], iteration_bounds = array<i64: 2, 16>, scalar_prefetch = 0 : i64, scratch_operands = 3 : i64, tpu.core_type = #tpu.core_type<sc_vector_subcore>, window_params = [{transform_indices = #map}, {transform_indices = #map1}, {transform_indices = #map}]} {
    %mul3A = arith.constant 2 : i32
    %mul3A_0 = arith.muli %arg1, %mul3A : i32
    %add3A = arith.addi %mul3A_0, %arg0 : i32
    %mul3A_1 = arith.constant 32 : i32
    %mul3A_2 = arith.muli %add3A, %mul3A_1 : i32
    "tpu.region"() ({
      %run_scoped3A = tpu.sem_alloc : memref<!tpu.dma_semaphore, #tpu.memory_space<semaphore_mem>>
      %dma_start3A_7 = tpu.memref_slice %arg3[%mul3A_2] : memref<1024xi32, #tpu.memory_space<hbm>> -> memref<32xi32, #tpu.memory_space<hbm>>
      %dma_start3A_8 = tpu.memref_slice %arg3[%mul3A_2] : memref<1024xi32, #tpu.memory_space<hbm>> -> memref<32xi32, #tpu.memory_space<hbm>>
      tpu.enqueue_dma source(%dma_start3A_8 : memref<32xi32, #tpu.memory_space<hbm>>) target(%arg5 : memref<32xi32, #tpu.memory_space<vmem>>) target_semaphore(%run_scoped3A : memref<!tpu.dma_semaphore, #tpu.memory_space<semaphore_mem>>)
      %dma_wait3A_9 = tpu.memref_slice %arg3[%mul3A_2] : memref<1024xi32, #tpu.memory_space<hbm>> -> memref<32xi32, #tpu.memory_space<hbm>>
      %dma_wait3A_10 = tpu.memref_slice %arg3[%mul3A_2] : memref<1024xi32, #tpu.memory_space<hbm>> -> memref<32xi32, #tpu.memory_space<hbm>>
      tpu.wait_dma2 semaphore(%run_scoped3A : memref<!tpu.dma_semaphore, #tpu.memory_space<semaphore_mem>>) src(%dma_wait3A_10 : memref<32xi32, #tpu.memory_space<hbm>>) dst(%arg5 : memref<32xi32, #tpu.memory_space<vmem>>)
      tpu.yield
    }) : () -> ()
    %dma_start3A = arith.constant 0 : i32
    %dma_start3A_3 = arith.constant 0 : i32
    %dma_start3A_4 = tpu.memref_slice %arg2[%dma_start3A, %dma_start3A_3] : memref<100000x768xf32, #tpu.memory_space<hbm>> -> memref<100000x768xf32, #tpu.memory_space<hbm>>
    tpu.enqueue_indirect_dma source(%dma_start3A_4 : memref<100000x768xf32, #tpu.memory_space<hbm>>) target(%arg6 : memref<32x768xf32, #tpu.memory_space<vmem>>) offsets(%arg5 : memref<32xi32, #tpu.memory_space<vmem>>) semaphore(%arg7 : memref<!tpu.dma_semaphore, #tpu.memory_space<semaphore_mem>>)
    %dma_wait3A = arith.constant 0 : i32
    %dma_wait3A_5 = arith.constant 0 : i32
    %dma_wait3A_6 = tpu.memref_slice %arg2[%dma_wait3A, %dma_wait3A_5] : memref<100000x768xf32, #tpu.memory_space<hbm>> -> memref<100000x768xf32, #tpu.memory_space<hbm>>
    tpu.wait_indirect_dma semaphore(%arg7 : memref<!tpu.dma_semaphore, #tpu.memory_space<semaphore_mem>>) src(%dma_wait3A_6 : memref<100000x768xf32, #tpu.memory_space<hbm>>) dst(%arg6 : memref<32x768xf32, #tpu.memory_space<vmem>>)
    "tpu.region"() ({
      %run_scoped3A = tpu.sem_alloc : memref<!tpu.dma_semaphore, #tpu.memory_space<semaphore_mem>>
      %dma_start3A_7 = arith.constant 0 : i32
      %dma_start3A_8 = tpu.memref_slice %arg4[%mul3A_2, %dma_start3A_7] : memref<1024x768xf32, #tpu.memory_space<hbm>> -> memref<32x768xf32, #tpu.memory_space<hbm>>
      %dma_start3A_9 = arith.constant 0 : i32
      %dma_start3A_10 = tpu.memref_slice %arg4[%mul3A_2, %dma_start3A_9] : memref<1024x768xf32, #tpu.memory_space<hbm>> -> memref<32x768xf32, #tpu.memory_space<hbm>>
      tpu.enqueue_dma source(%arg6 : memref<32x768xf32, #tpu.memory_space<vmem>>) target(%dma_start3A_10 : memref<32x768xf32, #tpu.memory_space<hbm>>) target_semaphore(%run_scoped3A : memref<!tpu.dma_semaphore, #tpu.memory_space<semaphore_mem>>)
      %dma_wait3A_11 = arith.constant 0 : i32
      %dma_wait3A_12 = tpu.memref_slice %arg4[%mul3A_2, %dma_wait3A_11] : memref<1024x768xf32, #tpu.memory_space<hbm>> -> memref<32x768xf32, #tpu.memory_space<hbm>>
      %dma_wait3A_13 = arith.constant 0 : i32
      %dma_wait3A_14 = tpu.memref_slice %arg4[%mul3A_2, %dma_wait3A_13] : memref<1024x768xf32, #tpu.memory_space<hbm>> -> memref<32x768xf32, #tpu.memory_space<hbm>>
      tpu.wait_dma2 semaphore(%run_scoped3A : memref<!tpu.dma_semaphore, #tpu.memory_space<semaphore_mem>>) src(%arg6 : memref<32x768xf32, #tpu.memory_space<vmem>>) dst(%dma_wait3A_14 : memref<32x768xf32, #tpu.memory_space<hbm>>)
      tpu.yield
    }) : () -> ()
    return
  }
}

module attributes {stable_mosaic.version = 14 : i64} {
  func.func @_insert_body(%arg0: i32, %arg1: memref<4x16x768xf32, #tpu.memory_space<vmem>>, %arg2: memref<64x768xf32, #tpu.memory_space<vmem>>, %arg3: memref<4x16x768xf32, #tpu.memory_space<vmem>>) attributes {dimension_semantics = [#tpu.dimension_semantics<arbitrary>], iteration_bounds = array<i64: 16>, scalar_prefetch = 0 : i64, scratch_operands = 0 : i64, tpu.core_type = #tpu.core_type<tc>, window_params = [{transform_indices = @transform_0, window_bounds = array<i64: 4, 16, 768>}, {transform_indices = @transform_1, window_bounds = array<i64: 64, 768>}, {transform_indices = @transform_2, window_bounds = array<i64: 4, 16, 768>}]} {
    %get3A = arith.constant 0 : index
    %get3A_0 = arith.constant 0 : index
    %get3A_1 = vector.load %arg2[%get3A, %get3A_0] : memref<64x768xf32, #tpu.memory_space<vmem>>, vector<64x768xf32>
    %reshape3A = vector.shape_cast %get3A_1 : vector<64x768xf32> to vector<4x16x768xf32>
    %swap3A = arith.constant 0 : index
    %swap3A_2 = arith.constant 0 : index
    %swap3A_3 = arith.constant 0 : index
    %swap3A_4 = vector.load %arg3[%swap3A, %swap3A_2, %swap3A_3] : memref<4x16x768xf32, #tpu.memory_space<vmem>>, vector<4x16x768xf32>
    tpu.vector_store %arg3[%swap3A, %swap3A_2, %swap3A_3], %reshape3A {strides = array<i32>} : memref<4x16x768xf32, #tpu.memory_space<vmem>>, vector<4x16x768xf32>,
    return
  }
  func.func @transform_0(%arg0: i32) -> (i32, i32, i32) {
    %c0_i32 = arith.constant 0 : i32
    %c0_i32_0 = arith.constant 0 : i32
    %c0_i32_1 = arith.constant 0 : i32
    return %arg0, %c0_i32, %c0_i32_0 : i32, i32, i32
  }
  func.func @transform_1(%arg0: i32) -> (i32, i32) {
    %c0_i32 = arith.constant 0 : i32
    %c0_i32_0 = arith.constant 0 : i32
    return %arg0, %c0_i32 : i32, i32
  }
  func.func @transform_2(%arg0: i32) -> (i32, i32, i32) {
    %c0_i32 = arith.constant 0 : i32
    %c0_i32_0 = arith.constant 0 : i32
    %c0_i32_1 = arith.constant 0 : i32
    return %arg0, %c0_i32, %c0_i32_0 : i32, i32, i32
  }
}

module attributes {stable_mosaic.version = 14 : i64} {
  func.func @_main_body(%arg0: i32, %arg1: memref<2048x768xf32, #tpu.memory_space<vmem>>, %arg2: memref<64x16x768xf32, #tpu.memory_space<vmem>>, %arg3: memref<64x128xi32, #tpu.memory_space<vmem>>, %arg4: memref<64x16x768xf32, #tpu.memory_space<vmem>>, %arg5: memref<64x768xf32, #tpu.memory_space<vmem>>, %arg6: memref<64x16xf32, #tpu.memory_space<vmem>>, %arg7: memref<64x16xi32, #tpu.memory_space<vmem>>) attributes {dimension_semantics = [#tpu.dimension_semantics<arbitrary>], iteration_bounds = array<i64: 81>, scalar_prefetch = 0 : i64, scratch_operands = 3 : i64, tpu.core_type = #tpu.core_type<tc>, window_params = [{transform_indices = @transform_0, window_bounds = array<i64: 2048, 768>}, {transform_indices = @transform_1, window_bounds = array<i64: 64, 16, 768>}, {pipeline_mode = #tpu.pipeline_mode<synchronous>, transform_indices = @transform_2, window_bounds = array<i64: 64, 128>}, {transform_indices = @transform_3, window_bounds = array<i64: 64, 16, 768>}]} {
    %lt3A = arith.constant 32 : i32
    %lt3A_0 = arith.cmpi slt, %arg0, %lt3A : i32
    %convert_element_type3A = arith.extui %lt3A_0 : i1 to i32
    %cond3A = arith.constant 0 : i32
    %cond3A_1 = arith.cmpi ne, %convert_element_type3A, %cond3A : i32
    scf.if %cond3A_1 {
      %get3A = arith.constant 0 : index
      %get3A_6 = arith.constant 0 : index
      %get3A_7 = arith.constant 0 : index
      %get3A_8 = vector.load %arg2[%get3A, %get3A_6, %get3A_7] : memref<64x16x768xf32, #tpu.memory_space<vmem>>, vector<64x16x768xf32>
      %swap3A = arith.constant 0 : index
      %swap3A_9 = arith.constant 0 : index
      %swap3A_10 = arith.constant 0 : index
      %swap3A_11 = vector.load %arg4[%swap3A, %swap3A_9, %swap3A_10] : memref<64x16x768xf32, #tpu.memory_space<vmem>>, vector<64x16x768xf32>
      tpu.vector_store %arg4[%swap3A, %swap3A_9, %swap3A_10], %get3A_8 {strides = array<i32>} : memref<64x16x768xf32, #tpu.memory_space<vmem>>, vector<64x16x768xf32>,
      %reduce_sum3A = arith.constant dense<0.000000e+00> : vector<64x768xf32>
      %reduce_sum3A_12 = vector.multi_reduction <add>, %get3A_8, %reduce_sum3A [1] : vector<64x16x768xf32> to vector<64x768xf32>
      %eq3A = arith.constant 0 : i32
      %eq3A_13 = arith.cmpi eq, %arg0, %eq3A : i32
      %get3A_14 = arith.constant 0 : index
      %get3A_15 = arith.constant 0 : index
      %get3A_16 = vector.load %arg5[%get3A_14, %get3A_15] : memref<64x768xf32, #tpu.memory_space<vmem>>, vector<64x768xf32>
      %add3A = arith.addf %get3A_16, %reduce_sum3A_12 : vector<64x768xf32>
      %select_n3A = arith.select %eq3A_13, %reduce_sum3A_12, %add3A : vector<64x768xf32>
      %swap3A_17 = arith.constant 0 : index
      %swap3A_18 = arith.constant 0 : index
      %swap3A_19 = vector.load %arg5[%swap3A_17, %swap3A_18] : memref<64x768xf32, #tpu.memory_space<vmem>>, vector<64x768xf32>
      tpu.vector_store %arg5[%swap3A_17, %swap3A_18], %select_n3A {strides = array<i32>} : memref<64x768xf32, #tpu.memory_space<vmem>>, vector<64x768xf32>,
    } else {
    }
    %ge3A = arith.constant 32 : i32
    %ge3A_2 = arith.cmpi sge, %arg0, %ge3A : i32
    %convert_element_type3A_3 = arith.extui %ge3A_2 : i1 to i32
    %cond3A_4 = arith.constant 0 : i32
    %cond3A_5 = arith.cmpi ne, %convert_element_type3A_3, %cond3A_4 : i32
    scf.if %cond3A_5 {
      %sub3A = arith.constant 32 : i32
      %sub3A_6 = arith.subi %arg0, %sub3A : i32
      %eq3A = arith.constant 0 : i32
      %eq3A_7 = arith.cmpi eq, %sub3A_6, %eq3A : i32
      %convert_element_type3A_8 = arith.extui %eq3A_7 : i1 to i32
      %cond3A_9 = arith.constant 0 : i32
      %cond3A_10 = arith.cmpi ne, %convert_element_type3A_8, %cond3A_9 : i32
      scf.if %cond3A_10 {
        %broadcast_in_dim3A_341 = arith.constant -3.000000e+38 : f32
        %broadcast_in_dim3A_342 = vector.broadcast %broadcast_in_dim3A_341 : f32 to vector<64x16xf32>
        %swap3A_343 = arith.constant 0 : index
        %swap3A_344 = arith.constant 0 : index
        %swap3A_345 = vector.load %arg6[%swap3A_343, %swap3A_344] : memref<64x16xf32, #tpu.memory_space<vmem>>, vector<64x16xf32>
        tpu.vector_store %arg6[%swap3A_343, %swap3A_344], %broadcast_in_dim3A_342 {strides = array<i32>} : memref<64x16xf32, #tpu.memory_space<vmem>>, vector<64x16xf32>,
        %broadcast_in_dim3A_346 = arith.constant 0 : i32
        %broadcast_in_dim3A_347 = vector.broadcast %broadcast_in_dim3A_346 : i32 to vector<64x16xi32>
        %swap3A_348 = arith.constant 0 : index
        %swap3A_349 = arith.constant 0 : index
        %swap3A_350 = vector.load %arg7[%swap3A_348, %swap3A_349] : memref<64x16xi32, #tpu.memory_space<vmem>>, vector<64x16xi32>
        tpu.vector_store %arg7[%swap3A_348, %swap3A_349], %broadcast_in_dim3A_347 {strides = array<i32>} : memref<64x16xi32, #tpu.memory_space<vmem>>, vector<64x16xi32>,
      } else {
      }
      %get3A = arith.constant 0 : index
      %get3A_11 = arith.constant 0 : index
      %get3A_12 = vector.load %arg1[%get3A, %get3A_11] : memref<2048x768xf32, #tpu.memory_space<vmem>>, vector<2048x768xf32>
      %mul3A = arith.mulf %get3A_12, %get3A_12 : vector<2048x768xf32>
      %reduce_sum3A = arith.constant dense<0.000000e+00> : vector<2048xf32>
      %reduce_sum3A_13 = vector.multi_reduction <add>, %mul3A, %reduce_sum3A [1] : vector<2048x768xf32> to vector<2048xf32>
      %max3A = arith.constant 1.000000e-24 : f32
      %max3A_14 = vector.broadcast %max3A : f32 to vector<2048xf32>
      %max3A_15 = arith.maximumf %reduce_sum3A_13, %max3A_14 : vector<2048xf32>
      %rsqrt3A = math.rsqrt %max3A_15 : vector<2048xf32>
      %convert_element_type3A_16 = arith.truncf %get3A_12 : vector<2048x768xf32> to vector<2048x768xbf16>
      %get3A_17 = arith.constant 0 : index
      %get3A_18 = arith.constant 0 : index
      %get3A_19 = vector.load %arg5[%get3A_17, %get3A_18] : memref<64x768xf32, #tpu.memory_space<vmem>>, vector<64x768xf32>
      %convert_element_type3A_20 = arith.truncf %get3A_19 : vector<64x768xf32> to vector<64x768xbf16>
      %dot_general3A = arith.constant dense<0.000000e+00> : vector<64x2048xf32>
      %dot_general3A_21 = tpu.matmul %convert_element_type3A_20, %convert_element_type3A_16, %dot_general3A {dimension_numbers = #tpu.dot_dimension_numbers<[1], [1], [0], [0], [0, 0, 1, 0], [], []>, transpose_lhs_hint = false} : vector<64x768xbf16>, vector<2048x768xbf16>, vector<64x2048xf32> -> vector<64x2048xf32>
      %broadcast_in_dim3A = vector.shape_cast %rsqrt3A : vector<2048xf32> to vector<1x2048xf32>
      %mul3A_22 = vector.broadcast %broadcast_in_dim3A : vector<1x2048xf32> to vector<64x2048xf32>
      %mul3A_23 = arith.mulf %dot_general3A_21, %mul3A_22 : vector<64x2048xf32>
      %iota3A = tpu.iota {dimensions = array<i32: 1>} : vector<64x2048xi32>
      %mul3A_24 = arith.constant 2048 : i32
      %mul3A_25 = arith.muli %sub3A_6, %mul3A_24 : i32
      %add3A = vector.broadcast %mul3A_25 : i32 to vector<64x2048xi32>
      %add3A_26 = arith.addi %add3A, %iota3A : vector<64x2048xi32>
      %lt3A_27 = arith.constant 100000 : i32
      %lt3A_28 = vector.broadcast %lt3A_27 : i32 to vector<64x2048xi32>
      %lt3A_29 = arith.cmpi slt, %add3A_26, %lt3A_28 : vector<64x2048xi32>
      %jit3A = arith.constant -3.000000e+38 : f32
      %broadcast_in_dim3A_30 = vector.broadcast %jit3A : f32 to vector<64x2048xf32>
      %select_n3A = arith.select %lt3A_29, %mul3A_23, %broadcast_in_dim3A_30 : vector<64x2048xi1>, vector<64x2048xf32>
      %bitcast_convert_type3A = tpu.bitcast %select_n3A : vector<64x2048xf32> -> vector<64x2048xi32>
      %lt3A_31 = arith.constant 0 : i32
      %lt3A_32 = vector.broadcast %lt3A_31 : i32 to vector<64x2048xi32>
      %lt3A_33 = arith.cmpi slt, %bitcast_convert_type3A, %lt3A_32 : vector<64x2048xi32>
      %xor3A = arith.constant 2147483647 : i32
      %xor3A_34 = vector.broadcast %xor3A : i32 to vector<64x2048xi32>
      %xor3A_35 = arith.xori %bitcast_convert_type3A, %xor3A_34 : vector<64x2048xi32>
      %select_n3A_36 = arith.select %lt3A_33, %xor3A_35, %bitcast_convert_type3A : vector<64x2048xi1>, vector<64x2048xi32>
      %and3A = arith.constant -4096 : i32
      %and3A_37 = vector.broadcast %and3A : i32 to vector<64x2048xi32>
      %and3A_38 = arith.andi %select_n3A_36, %and3A_37 : vector<64x2048xi32>
      %sub3A_39 = arith.constant 2047 : i32
      %sub3A_40 = vector.broadcast %sub3A_39 : i32 to vector<64x2048xi32>
      %sub3A_41 = arith.subi %sub3A_40, %iota3A : vector<64x2048xi32>
      %or3A = arith.ori %and3A_38, %sub3A_41 : vector<64x2048xi32>
      %iota3A_42 = tpu.iota {dimensions = array<i32: 1>} : vector<64x16xi32>
      %get3A_43 = arith.constant 0 : index
      %get3A_44 = arith.constant 0 : index
      %get3A_45 = vector.load %arg6[%get3A_43, %get3A_44] : memref<64x16xf32, #tpu.memory_space<vmem>>, vector<64x16xf32>
      %bitcast_convert_type3A_46 = tpu.bitcast %get3A_45 : vector<64x16xf32> -> vector<64x16xi32>
      %lt3A_47 = arith.constant 0 : i32
      %lt3A_48 = vector.broadcast %lt3A_47 : i32 to vector<64x16xi32>
      %lt3A_49 = arith.cmpi slt, %bitcast_convert_type3A_46, %lt3A_48 : vector<64x16xi32>
      %xor3A_50 = arith.constant 2147483647 : i32
      %xor3A_51 = vector.broadcast %xor3A_50 : i32 to vector<64x16xi32>
      %xor3A_52 = arith.xori %bitcast_convert_type3A_46, %xor3A_51 : vector<64x16xi32>
      %select_n3A_53 = arith.select %lt3A_49, %xor3A_52, %bitcast_convert_type3A_46 : vector<64x16xi1>, vector<64x16xi32>
      %and3A_54 = arith.constant -4096 : i32
      %and3A_55 = vector.broadcast %and3A_54 : i32 to vector<64x16xi32>
      %and3A_56 = arith.andi %select_n3A_53, %and3A_55 : vector<64x16xi32>
      %sub3A_57 = arith.constant 2175 : i32
      %sub3A_58 = vector.broadcast %sub3A_57 : i32 to vector<64x16xi32>
      %sub3A_59 = arith.subi %sub3A_58, %iota3A_42 : vector<64x16xi32>
      %or3A_60 = arith.ori %and3A_56, %sub3A_59 : vector<64x16xi32>
      %broadcast_in_dim3A_61 = arith.constant -2147483648 : i32
      %broadcast_in_dim3A_62 = vector.broadcast %broadcast_in_dim3A_61 : i32 to vector<64x112xi32>
      %concatenate3A = tpu.concatenate %or3A_60, %broadcast_in_dim3A_62 in 1 : vector<64x16xi32>, vector<64x112xi32> -> vector<64x128xi32>
      %concatenate3A_63 = tpu.concatenate %concatenate3A, %or3A in 1 : vector<64x128xi32>, vector<64x2048xi32> -> vector<64x2176xi32>
      %reduce_max3A = arith.constant dense<-2147483648> : vector<64xi32>
      %reduce_max3A_64 = vector.multi_reduction <maxsi>, %concatenate3A_63, %reduce_max3A [1] : vector<64x2176xi32> to vector<64xi32>
      %broadcast_in_dim3A_65 = vector.shape_cast %reduce_max3A_64 : vector<64xi32> to vector<64x1xi32>
      %eq3A_66 = vector.broadcast %broadcast_in_dim3A_65 : vector<64x1xi32> to vector<64x2176xi32>
      %eq3A_67 = arith.cmpi eq, %concatenate3A_63, %eq3A_66 : vector<64x2176xi32>
      %jit3A_68 = arith.constant -2147483648 : i32
      %broadcast_in_dim3A_69 = vector.broadcast %jit3A_68 : i32 to vector<64x2176xi32>
      %select_n3A_70 = arith.select %eq3A_67, %broadcast_in_dim3A_69, %concatenate3A_63 : vector<64x2176xi1>, vector<64x2176xi32>
      %reduce_max3A_71 = arith.constant dense<-2147483648> : vector<64xi32>
      %reduce_max3A_72 = vector.multi_reduction <maxsi>, %select_n3A_70, %reduce_max3A_71 [1] : vector<64x2176xi32> to vector<64xi32>
      %broadcast_in_dim3A_73 = vector.shape_cast %reduce_max3A_72 : vector<64xi32> to vector<64x1xi32>
      %eq3A_74 = vector.broadcast %broadcast_in_dim3A_73 : vector<64x1xi32> to vector<64x2176xi32>
      %eq3A_75 = arith.cmpi eq, %select_n3A_70, %eq3A_74 : vector<64x2176xi32>
      %jit3A_76 = arith.constant -2147483648 : i32
      %broadcast_in_dim3A_77 = vector.broadcast %jit3A_76 : i32 to vector<64x2176xi32>
      %select_n3A_78 = arith.select %eq3A_75, %broadcast_in_dim3A_77, %select_n3A_70 : vector<64x2176xi1>, vector<64x2176xi32>
      %reduce_max3A_79 = arith.constant dense<-2147483648> : vector<64xi32>
      %reduce_max3A_80 = vector.multi_reduction <maxsi>, %select_n3A_78, %reduce_max3A_79 [1] : vector<64x2176xi32> to vector<64xi32>
      %broadcast_in_dim3A_81 = vector.shape_cast %reduce_max3A_80 : vector<64xi32> to vector<64x1xi32>
      %eq3A_82 = vector.broadcast %broadcast_in_dim3A_81 : vector<64x1xi32> to vector<64x2176xi32>
      %eq3A_83 = arith.cmpi eq, %select_n3A_78, %eq3A_82 : vector<64x2176xi32>
      %jit3A_84 = arith.constant -2147483648 : i32
      %broadcast_in_dim3A_85 = vector.broadcast %jit3A_84 : i32 to vector<64x2176xi32>
      %select_n3A_86 = arith.select %eq3A_83, %broadcast_in_dim3A_85, %select_n3A_78 : vector<64x2176xi1>, vector<64x2176xi32>
      %reduce_max3A_87 = arith.constant dense<-2147483648> : vector<64xi32>
      %reduce_max3A_88 = vector.multi_reduction <maxsi>, %select_n3A_86, %reduce_max3A_87 [1] : vector<64x2176xi32> to vector<64xi32>
      %broadcast_in_dim3A_89 = vector.shape_cast %reduce_max3A_88 : vector<64xi32> to vector<64x1xi32>
      %eq3A_90 = vector.broadcast %broadcast_in_dim3A_89 : vector<64x1xi32> to vector<64x2176xi32>
      %eq3A_91 = arith.cmpi eq, %select_n3A_86, %eq3A_90 : vector<64x2176xi32>
      %jit3A_92 = arith.constant -2147483648 : i32
      %broadcast_in_dim3A_93 = vector.broadcast %jit3A_92 : i32 to vector<64x2176xi32>
      %select_n3A_94 = arith.select %eq3A_91, %broadcast_in_dim3A_93, %select_n3A_86 : vector<64x2176xi1>, vector<64x2176xi32>
      %reduce_max3A_95 = arith.constant dense<-2147483648> : vector<64xi32>
      %reduce_max3A_96 = vector.multi_reduction <maxsi>, %select_n3A_94, %reduce_max3A_95 [1] : vector<64x2176xi32> to vector<64xi32>
      %broadcast_in_dim3A_97 = vector.shape_cast %reduce_max3A_96 : vector<64xi32> to vector<64x1xi32>
      %eq3A_98 = vector.broadcast %broadcast_in_dim3A_97 : vector<64x1xi32> to vector<64x2176xi32>
      %eq3A_99 = arith.cmpi eq, %select_n3A_94, %eq3A_98 : vector<64x2176xi32>
      %jit3A_100 = arith.constant -2147483648 : i32
      %broadcast_in_dim3A_101 = vector.broadcast %jit3A_100 : i32 to vector<64x2176xi32>
      %select_n3A_102 = arith.select %eq3A_99, %broadcast_in_dim3A_101, %select_n3A_94 : vector<64x2176xi1>, vector<64x2176xi32>
      %reduce_max3A_103 = arith.constant dense<-2147483648> : vector<64xi32>
      %reduce_max3A_104 = vector.multi_reduction <maxsi>, %select_n3A_102, %reduce_max3A_103 [1] : vector<64x2176xi32> to vector<64xi32>
      %broadcast_in_dim3A_105 = vector.shape_cast %reduce_max3A_104 : vector<64xi32> to vector<64x1xi32>
      %eq3A_106 = vector.broadcast %broadcast_in_dim3A_105 : vector<64x1xi32> to vector<64x2176xi32>
      %eq3A_107 = arith.cmpi eq, %select_n3A_102, %eq3A_106 : vector<64x2176xi32>
      %jit3A_108 = arith.constant -2147483648 : i32
      %broadcast_in_dim3A_109 = vector.broadcast %jit3A_108 : i32 to vector<64x2176xi32>
      %select_n3A_110 = arith.select %eq3A_107, %broadcast_in_dim3A_109, %select_n3A_102 : vector<64x2176xi1>, vector<64x2176xi32>
      %reduce_max3A_111 = arith.constant dense<-2147483648> : vector<64xi32>
      %reduce_max3A_112 = vector.multi_reduction <maxsi>, %select_n3A_110, %reduce_max3A_111 [1] : vector<64x2176xi32> to vector<64xi32>
      %broadcast_in_dim3A_113 = vector.shape_cast %reduce_max3A_112 : vector<64xi32> to vector<64x1xi32>
      %eq3A_114 = vector.broadcast %broadcast_in_dim3A_113 : vector<64x1xi32> to vector<64x2176xi32>
      %eq3A_115 = arith.cmpi eq, %select_n3A_110, %eq3A_114 : vector<64x2176xi32>
      %jit3A_116 = arith.constant -2147483648 : i32
      %broadcast_in_dim3A_117 = vector.broadcast %jit3A_116 : i32 to vector<64x2176xi32>
      %select_n3A_118 = arith.select %eq3A_115, %broadcast_in_dim3A_117, %select_n3A_110 : vector<64x2176xi1>, vector<64x2176xi32>
      %reduce_max3A_119 = arith.constant dense<-2147483648> : vector<64xi32>
      %reduce_max3A_120 = vector.multi_reduction <maxsi>, %select_n3A_118, %reduce_max3A_119 [1] : vector<64x2176xi32> to vector<64xi32>
      %broadcast_in_dim3A_121 = vector.shape_cast %reduce_max3A_120 : vector<64xi32> to vector<64x1xi32>
      %eq3A_122 = vector.broadcast %broadcast_in_dim3A_121 : vector<64x1xi32> to vector<64x2176xi32>
      %eq3A_123 = arith.cmpi eq, %select_n3A_118, %eq3A_122 : vector<64x2176xi32>
      %jit3A_124 = arith.constant -2147483648 : i32
      %broadcast_in_dim3A_125 = vector.broadcast %jit3A_124 : i32 to vector<64x2176xi32>
      %select_n3A_126 = arith.select %eq3A_123, %broadcast_in_dim3A_125, %select_n3A_118 : vector<64x2176xi1>, vector<64x2176xi32>
      %reduce_max3A_127 = arith.constant dense<-2147483648> : vector<64xi32>
      %reduce_max3A_128 = vector.multi_reduction <maxsi>, %select_n3A_126, %reduce_max3A_127 [1] : vector<64x2176xi32> to vector<64xi32>
      %broadcast_in_dim3A_129 = vector.shape_cast %reduce_max3A_128 : vector<64xi32> to vector<64x1xi32>
      %eq3A_130 = vector.broadcast %broadcast_in_dim3A_129 : vector<64x1xi32> to vector<64x2176xi32>
      %eq3A_131 = arith.cmpi eq, %select_n3A_126, %eq3A_130 : vector<64x2176xi32>
      %jit3A_132 = arith.constant -2147483648 : i32
      %broadcast_in_dim3A_133 = vector.broadcast %jit3A_132 : i32 to vector<64x2176xi32>
      %select_n3A_134 = arith.select %eq3A_131, %broadcast_in_dim3A_133, %select_n3A_126 : vector<64x2176xi1>, vector<64x2176xi32>
      %reduce_max3A_135 = arith.constant dense<-2147483648> : vector<64xi32>
      %reduce_max3A_136 = vector.multi_reduction <maxsi>, %select_n3A_134, %reduce_max3A_135 [1] : vector<64x2176xi32> to vector<64xi32>
      %broadcast_in_dim3A_137 = vector.shape_cast %reduce_max3A_136 : vector<64xi32> to vector<64x1xi32>
      %eq3A_138 = vector.broadcast %broadcast_in_dim3A_137 : vector<64x1xi32> to vector<64x2176xi32>
      %eq3A_139 = arith.cmpi eq, %select_n3A_134, %eq3A_138 : vector<64x2176xi32>
      %jit3A_140 = arith.constant -2147483648 : i32
      %broadcast_in_dim3A_141 = vector.broadcast %jit3A_140 : i32 to vector<64x2176xi32>
      %select_n3A_142 = arith.select %eq3A_139, %broadcast_in_dim3A_141, %select_n3A_134 : vector<64x2176xi1>, vector<64x2176xi32>
      %reduce_max3A_143 = arith.constant dense<-2147483648> : vector<64xi32>
      %reduce_max3A_144 = vector.multi_reduction <maxsi>, %select_n3A_142, %reduce_max3A_143 [1] : vector<64x2176xi32> to vector<64xi32>
      %broadcast_in_dim3A_145 = vector.shape_cast %reduce_max3A_144 : vector<64xi32> to vector<64x1xi32>
      %eq3A_146 = vector.broadcast %broadcast_in_dim3A_145 : vector<64x1xi32> to vector<64x2176xi32>
      %eq3A_147 = arith.cmpi eq, %select_n3A_142, %eq3A_146 : vector<64x2176xi32>
      %jit3A_148 = arith.constant -2147483648 : i32
      %broadcast_in_dim3A_149 = vector.broadcast %jit3A_148 : i32 to vector<64x2176xi32>
      %select_n3A_150 = arith.select %eq3A_147, %broadcast_in_dim3A_149, %select_n3A_142 : vector<64x2176xi1>, vector<64x2176xi32>
      %reduce_max3A_151 = arith.constant dense<-2147483648> : vector<64xi32>
      %reduce_max3A_152 = vector.multi_reduction <maxsi>, %select_n3A_150, %reduce_max3A_151 [1] : vector<64x2176xi32> to vector<64xi32>
      %broadcast_in_dim3A_153 = vector.shape_cast %reduce_max3A_152 : vector<64xi32> to vector<64x1xi32>
      %eq3A_154 = vector.broadcast %broadcast_in_dim3A_153 : vector<64x1xi32> to vector<64x2176xi32>
      %eq3A_155 = arith.cmpi eq, %select_n3A_150, %eq3A_154 : vector<64x2176xi32>
      %jit3A_156 = arith.constant -2147483648 : i32
      %broadcast_in_dim3A_157 = vector.broadcast %jit3A_156 : i32 to vector<64x2176xi32>
      %select_n3A_158 = arith.select %eq3A_155, %broadcast_in_dim3A_157, %select_n3A_150 : vector<64x2176xi1>, vector<64x2176xi32>
      %reduce_max3A_159 = arith.constant dense<-2147483648> : vector<64xi32>
      %reduce_max3A_160 = vector.multi_reduction <maxsi>, %select_n3A_158, %reduce_max3A_159 [1] : vector<64x2176xi32> to vector<64xi32>
      %broadcast_in_dim3A_161 = vector.shape_cast %reduce_max3A_160 : vector<64xi32> to vector<64x1xi32>
      %eq3A_162 = vector.broadcast %broadcast_in_dim3A_161 : vector<64x1xi32> to vector<64x2176xi32>
      %eq3A_163 = arith.cmpi eq, %select_n3A_158, %eq3A_162 : vector<64x2176xi32>
      %jit3A_164 = arith.constant -2147483648 : i32
      %broadcast_in_dim3A_165 = vector.broadcast %jit3A_164 : i32 to vector<64x2176xi32>
      %select_n3A_166 = arith.select %eq3A_163, %broadcast_in_dim3A_165, %select_n3A_158 : vector<64x2176xi1>, vector<64x2176xi32>
      %reduce_max3A_167 = arith.constant dense<-2147483648> : vector<64xi32>
      %reduce_max3A_168 = vector.multi_reduction <maxsi>, %select_n3A_166, %reduce_max3A_167 [1] : vector<64x2176xi32> to vector<64xi32>
      %broadcast_in_dim3A_169 = vector.shape_cast %reduce_max3A_168 : vector<64xi32> to vector<64x1xi32>
      %eq3A_170 = vector.broadcast %broadcast_in_dim3A_169 : vector<64x1xi32> to vector<64x2176xi32>
      %eq3A_171 = arith.cmpi eq, %select_n3A_166, %eq3A_170 : vector<64x2176xi32>
      %jit3A_172 = arith.constant -2147483648 : i32
      %broadcast_in_dim3A_173 = vector.broadcast %jit3A_172 : i32 to vector<64x2176xi32>
      %select_n3A_174 = arith.select %eq3A_171, %broadcast_in_dim3A_173, %select_n3A_166 : vector<64x2176xi1>, vector<64x2176xi32>
      %reduce_max3A_175 = arith.constant dense<-2147483648> : vector<64xi32>
      %reduce_max3A_176 = vector.multi_reduction <maxsi>, %select_n3A_174, %reduce_max3A_175 [1] : vector<64x2176xi32> to vector<64xi32>
      %broadcast_in_dim3A_177 = vector.shape_cast %reduce_max3A_176 : vector<64xi32> to vector<64x1xi32>
      %eq3A_178 = vector.broadcast %broadcast_in_dim3A_177 : vector<64x1xi32> to vector<64x2176xi32>
      %eq3A_179 = arith.cmpi eq, %select_n3A_174, %eq3A_178 : vector<64x2176xi32>
      %jit3A_180 = arith.constant -2147483648 : i32
      %broadcast_in_dim3A_181 = vector.broadcast %jit3A_180 : i32 to vector<64x2176xi32>
      %select_n3A_182 = arith.select %eq3A_179, %broadcast_in_dim3A_181, %select_n3A_174 : vector<64x2176xi1>, vector<64x2176xi32>
      %reduce_max3A_183 = arith.constant dense<-2147483648> : vector<64xi32>
      %reduce_max3A_184 = vector.multi_reduction <maxsi>, %select_n3A_182, %reduce_max3A_183 [1] : vector<64x2176xi32> to vector<64xi32>
      %broadcast_in_dim3A_185 = vector.shape_cast %reduce_max3A_184 : vector<64xi32> to vector<64x1xi32>
      %concatenate3A_186 = tpu.concatenate %broadcast_in_dim3A_65, %broadcast_in_dim3A_73, %broadcast_in_dim3A_81, %broadcast_in_dim3A_89, %broadcast_in_dim3A_97, %broadcast_in_dim3A_105, %broadcast_in_dim3A_113, %broadcast_in_dim3A_121, %broadcast_in_dim3A_129, %broadcast_in_dim3A_137, %broadcast_in_dim3A_145, %broadcast_in_dim3A_153, %broadcast_in_dim3A_161, %broadcast_in_dim3A_169, %broadcast_in_dim3A_177, %broadcast_in_dim3A_185 in 1 : vector<64x1xi32>, vector<64x1xi32>, vector<64x1xi32>, vector<64x1xi32>, vector<64x1xi32>, vector<64x1xi32>, vector<64x1xi32>, vector<64x1xi32>, vector<64x1xi32>, vector<64x1xi32>, vector<64x1xi32>, vector<64x1xi32>, vector<64x1xi32>, vector<64x1xi32>, vector<64x1xi32>, vector<64x1xi32> -> vector<64x16xi32>
      %and3A_187 = arith.constant 4095 : i32
      %and3A_188 = vector.broadcast %and3A_187 : i32 to vector<64x16xi32>
      %and3A_189 = arith.andi %concatenate3A_186, %and3A_188 : vector<64x16xi32>
      %sub3A_190 = arith.constant 2175 : i32
      %sub3A_191 = vector.broadcast %sub3A_190 : i32 to vector<64x16xi32>
      %sub3A_192 = arith.subi %sub3A_191, %and3A_189 : vector<64x16xi32>
      %ge3A_193 = arith.constant 128 : i32
      %ge3A_194 = vector.broadcast %ge3A_193 : i32 to vector<64x16xi32>
      %ge3A_195 = arith.cmpi sge, %sub3A_192, %ge3A_194 : vector<64x16xi32>
      %mul3A_196 = arith.constant 2048 : i32
      %mul3A_197 = arith.muli %sub3A_6, %mul3A_196 : i32
      %sub3A_198 = arith.constant 128 : i32
      %sub3A_199 = vector.broadcast %sub3A_198 : i32 to vector<64x16xi32>
      %sub3A_200 = arith.subi %sub3A_192, %sub3A_199 : vector<64x16xi32>
      %add3A_201 = vector.broadcast %mul3A_197 : i32 to vector<64x16xi32>
      %add3A_202 = arith.addi %add3A_201, %sub3A_200 : vector<64x16xi32>
      %get3A_203 = arith.constant 0 : index
      %get3A_204 = arith.constant 0 : index
      %get3A_205 = vector.load %arg7[%get3A_203, %get3A_204] : memref<64x16xi32, #tpu.memory_space<vmem>>, vector<64x16xi32>
      %broadcast_in_dim3A_206 = arith.constant 0 : i32
      %broadcast_in_dim3A_207 = vector.broadcast %broadcast_in_dim3A_206 : i32 to vector<64x16xi32>
      %eq3A_208 = arith.constant 0 : i32
      %eq3A_209 = vector.broadcast %eq3A_208 : i32 to vector<64x16xi32>
      %eq3A_210 = arith.cmpi eq, %sub3A_192, %eq3A_209 : vector<64x16xi32>
      %slice3A = vector.extract_strided_slice %get3A_205 {offsets = [0, 0], sizes = [64, 1], strides = [1, 1]} : vector<64x16xi32> to vector<64x1xi32>
      %broadcast_in_dim3A_211 = vector.shape_cast %slice3A : vector<64x1xi32> to vector<64x1xi32>
      %broadcast_in_dim3A_212 = vector.broadcast %broadcast_in_dim3A_211 : vector<64x1xi32> to vector<64x16xi32>
      %select_n3A_213 = arith.select %eq3A_210, %broadcast_in_dim3A_212, %broadcast_in_dim3A_207 : vector<64x16xi1>, vector<64x16xi32>
      %eq3A_214 = arith.constant 1 : i32
      %eq3A_215 = vector.broadcast %eq3A_214 : i32 to vector<64x16xi32>
      %eq3A_216 = arith.cmpi eq, %sub3A_192, %eq3A_215 : vector<64x16xi32>
      %slice3A_217 = vector.extract_strided_slice %get3A_205 {offsets = [0, 1], sizes = [64, 1], strides = [1, 1]} : vector<64x16xi32> to vector<64x1xi32>
      %broadcast_in_dim3A_218 = vector.shape_cast %slice3A_217 : vector<64x1xi32> to vector<64x1xi32>
      %broadcast_in_dim3A_219 = vector.broadcast %broadcast_in_dim3A_218 : vector<64x1xi32> to vector<64x16xi32>
      %select_n3A_220 = arith.select %eq3A_216, %broadcast_in_dim3A_219, %select_n3A_213 : vector<64x16xi1>, vector<64x16xi32>
      %eq3A_221 = arith.constant 2 : i32
      %eq3A_222 = vector.broadcast %eq3A_221 : i32 to vector<64x16xi32>
      %eq3A_223 = arith.cmpi eq, %sub3A_192, %eq3A_222 : vector<64x16xi32>
      %slice3A_224 = vector.extract_strided_slice %get3A_205 {offsets = [0, 2], sizes = [64, 1], strides = [1, 1]} : vector<64x16xi32> to vector<64x1xi32>
      %broadcast_in_dim3A_225 = vector.shape_cast %slice3A_224 : vector<64x1xi32> to vector<64x1xi32>
      %broadcast_in_dim3A_226 = vector.broadcast %broadcast_in_dim3A_225 : vector<64x1xi32> to vector<64x16xi32>
      %select_n3A_227 = arith.select %eq3A_223, %broadcast_in_dim3A_226, %select_n3A_220 : vector<64x16xi1>, vector<64x16xi32>
      %eq3A_228 = arith.constant 3 : i32
      %eq3A_229 = vector.broadcast %eq3A_228 : i32 to vector<64x16xi32>
      %eq3A_230 = arith.cmpi eq, %sub3A_192, %eq3A_229 : vector<64x16xi32>
      %slice3A_231 = vector.extract_strided_slice %get3A_205 {offsets = [0, 3], sizes = [64, 1], strides = [1, 1]} : vector<64x16xi32> to vector<64x1xi32>
      %broadcast_in_dim3A_232 = vector.shape_cast %slice3A_231 : vector<64x1xi32> to vector<64x1xi32>
      %broadcast_in_dim3A_233 = vector.broadcast %broadcast_in_dim3A_232 : vector<64x1xi32> to vector<64x16xi32>
      %select_n3A_234 = arith.select %eq3A_230, %broadcast_in_dim3A_233, %select_n3A_227 : vector<64x16xi1>, vector<64x16xi32>
      %eq3A_235 = arith.constant 4 : i32
      %eq3A_236 = vector.broadcast %eq3A_235 : i32 to vector<64x16xi32>
      %eq3A_237 = arith.cmpi eq, %sub3A_192, %eq3A_236 : vector<64x16xi32>
      %slice3A_238 = vector.extract_strided_slice %get3A_205 {offsets = [0, 4], sizes = [64, 1], strides = [1, 1]} : vector<64x16xi32> to vector<64x1xi32>
      %broadcast_in_dim3A_239 = vector.shape_cast %slice3A_238 : vector<64x1xi32> to vector<64x1xi32>
      %broadcast_in_dim3A_240 = vector.broadcast %broadcast_in_dim3A_239 : vector<64x1xi32> to vector<64x16xi32>
      %select_n3A_241 = arith.select %eq3A_237, %broadcast_in_dim3A_240, %select_n3A_234 : vector<64x16xi1>, vector<64x16xi32>
      %eq3A_242 = arith.constant 5 : i32
      %eq3A_243 = vector.broadcast %eq3A_242 : i32 to vector<64x16xi32>
      %eq3A_244 = arith.cmpi eq, %sub3A_192, %eq3A_243 : vector<64x16xi32>
      %slice3A_245 = vector.extract_strided_slice %get3A_205 {offsets = [0, 5], sizes = [64, 1], strides = [1, 1]} : vector<64x16xi32> to vector<64x1xi32>
      %broadcast_in_dim3A_246 = vector.shape_cast %slice3A_245 : vector<64x1xi32> to vector<64x1xi32>
      %broadcast_in_dim3A_247 = vector.broadcast %broadcast_in_dim3A_246 : vector<64x1xi32> to vector<64x16xi32>
      %select_n3A_248 = arith.select %eq3A_244, %broadcast_in_dim3A_247, %select_n3A_241 : vector<64x16xi1>, vector<64x16xi32>
      %eq3A_249 = arith.constant 6 : i32
      %eq3A_250 = vector.broadcast %eq3A_249 : i32 to vector<64x16xi32>
      %eq3A_251 = arith.cmpi eq, %sub3A_192, %eq3A_250 : vector<64x16xi32>
      %slice3A_252 = vector.extract_strided_slice %get3A_205 {offsets = [0, 6], sizes = [64, 1], strides = [1, 1]} : vector<64x16xi32> to vector<64x1xi32>
      %broadcast_in_dim3A_253 = vector.shape_cast %slice3A_252 : vector<64x1xi32> to vector<64x1xi32>
      %broadcast_in_dim3A_254 = vector.broadcast %broadcast_in_dim3A_253 : vector<64x1xi32> to vector<64x16xi32>
      %select_n3A_255 = arith.select %eq3A_251, %broadcast_in_dim3A_254, %select_n3A_248 : vector<64x16xi1>, vector<64x16xi32>
      %eq3A_256 = arith.constant 7 : i32
      %eq3A_257 = vector.broadcast %eq3A_256 : i32 to vector<64x16xi32>
      %eq3A_258 = arith.cmpi eq, %sub3A_192, %eq3A_257 : vector<64x16xi32>
      %slice3A_259 = vector.extract_strided_slice %get3A_205 {offsets = [0, 7], sizes = [64, 1], strides = [1, 1]} : vector<64x16xi32> to vector<64x1xi32>
      %broadcast_in_dim3A_260 = vector.shape_cast %slice3A_259 : vector<64x1xi32> to vector<64x1xi32>
      %broadcast_in_dim3A_261 = vector.broadcast %broadcast_in_dim3A_260 : vector<64x1xi32> to vector<64x16xi32>
      %select_n3A_262 = arith.select %eq3A_258, %broadcast_in_dim3A_261, %select_n3A_255 : vector<64x16xi1>, vector<64x16xi32>
      %eq3A_263 = arith.constant 8 : i32
      %eq3A_264 = vector.broadcast %eq3A_263 : i32 to vector<64x16xi32>
      %eq3A_265 = arith.cmpi eq, %sub3A_192, %eq3A_264 : vector<64x16xi32>
      %slice3A_266 = vector.extract_strided_slice %get3A_205 {offsets = [0, 8], sizes = [64, 1], strides = [1, 1]} : vector<64x16xi32> to vector<64x1xi32>
      %broadcast_in_dim3A_267 = vector.shape_cast %slice3A_266 : vector<64x1xi32> to vector<64x1xi32>
      %broadcast_in_dim3A_268 = vector.broadcast %broadcast_in_dim3A_267 : vector<64x1xi32> to vector<64x16xi32>
      %select_n3A_269 = arith.select %eq3A_265, %broadcast_in_dim3A_268, %select_n3A_262 : vector<64x16xi1>, vector<64x16xi32>
      %eq3A_270 = arith.constant 9 : i32
      %eq3A_271 = vector.broadcast %eq3A_270 : i32 to vector<64x16xi32>
      %eq3A_272 = arith.cmpi eq, %sub3A_192, %eq3A_271 : vector<64x16xi32>
      %slice3A_273 = vector.extract_strided_slice %get3A_205 {offsets = [0, 9], sizes = [64, 1], strides = [1, 1]} : vector<64x16xi32> to vector<64x1xi32>
      %broadcast_in_dim3A_274 = vector.shape_cast %slice3A_273 : vector<64x1xi32> to vector<64x1xi32>
      %broadcast_in_dim3A_275 = vector.broadcast %broadcast_in_dim3A_274 : vector<64x1xi32> to vector<64x16xi32>
      %select_n3A_276 = arith.select %eq3A_272, %broadcast_in_dim3A_275, %select_n3A_269 : vector<64x16xi1>, vector<64x16xi32>
      %eq3A_277 = arith.constant 10 : i32
      %eq3A_278 = vector.broadcast %eq3A_277 : i32 to vector<64x16xi32>
      %eq3A_279 = arith.cmpi eq, %sub3A_192, %eq3A_278 : vector<64x16xi32>
      %slice3A_280 = vector.extract_strided_slice %get3A_205 {offsets = [0, 10], sizes = [64, 1], strides = [1, 1]} : vector<64x16xi32> to vector<64x1xi32>
      %broadcast_in_dim3A_281 = vector.shape_cast %slice3A_280 : vector<64x1xi32> to vector<64x1xi32>
      %broadcast_in_dim3A_282 = vector.broadcast %broadcast_in_dim3A_281 : vector<64x1xi32> to vector<64x16xi32>
      %select_n3A_283 = arith.select %eq3A_279, %broadcast_in_dim3A_282, %select_n3A_276 : vector<64x16xi1>, vector<64x16xi32>
      %eq3A_284 = arith.constant 11 : i32
      %eq3A_285 = vector.broadcast %eq3A_284 : i32 to vector<64x16xi32>
      %eq3A_286 = arith.cmpi eq, %sub3A_192, %eq3A_285 : vector<64x16xi32>
      %slice3A_287 = vector.extract_strided_slice %get3A_205 {offsets = [0, 11], sizes = [64, 1], strides = [1, 1]} : vector<64x16xi32> to vector<64x1xi32>
      %broadcast_in_dim3A_288 = vector.shape_cast %slice3A_287 : vector<64x1xi32> to vector<64x1xi32>
      %broadcast_in_dim3A_289 = vector.broadcast %broadcast_in_dim3A_288 : vector<64x1xi32> to vector<64x16xi32>
      %select_n3A_290 = arith.select %eq3A_286, %broadcast_in_dim3A_289, %select_n3A_283 : vector<64x16xi1>, vector<64x16xi32>
      %eq3A_291 = arith.constant 12 : i32
      %eq3A_292 = vector.broadcast %eq3A_291 : i32 to vector<64x16xi32>
      %eq3A_293 = arith.cmpi eq, %sub3A_192, %eq3A_292 : vector<64x16xi32>
      %slice3A_294 = vector.extract_strided_slice %get3A_205 {offsets = [0, 12], sizes = [64, 1], strides = [1, 1]} : vector<64x16xi32> to vector<64x1xi32>
      %broadcast_in_dim3A_295 = vector.shape_cast %slice3A_294 : vector<64x1xi32> to vector<64x1xi32>
      %broadcast_in_dim3A_296 = vector.broadcast %broadcast_in_dim3A_295 : vector<64x1xi32> to vector<64x16xi32>
      %select_n3A_297 = arith.select %eq3A_293, %broadcast_in_dim3A_296, %select_n3A_290 : vector<64x16xi1>, vector<64x16xi32>
      %eq3A_298 = arith.constant 13 : i32
      %eq3A_299 = vector.broadcast %eq3A_298 : i32 to vector<64x16xi32>
      %eq3A_300 = arith.cmpi eq, %sub3A_192, %eq3A_299 : vector<64x16xi32>
      %slice3A_301 = vector.extract_strided_slice %get3A_205 {offsets = [0, 13], sizes = [64, 1], strides = [1, 1]} : vector<64x16xi32> to vector<64x1xi32>
      %broadcast_in_dim3A_302 = vector.shape_cast %slice3A_301 : vector<64x1xi32> to vector<64x1xi32>
      %broadcast_in_dim3A_303 = vector.broadcast %broadcast_in_dim3A_302 : vector<64x1xi32> to vector<64x16xi32>
      %select_n3A_304 = arith.select %eq3A_300, %broadcast_in_dim3A_303, %select_n3A_297 : vector<64x16xi1>, vector<64x16xi32>
      %eq3A_305 = arith.constant 14 : i32
      %eq3A_306 = vector.broadcast %eq3A_305 : i32 to vector<64x16xi32>
      %eq3A_307 = arith.cmpi eq, %sub3A_192, %eq3A_306 : vector<64x16xi32>
      %slice3A_308 = vector.extract_strided_slice %get3A_205 {offsets = [0, 14], sizes = [64, 1], strides = [1, 1]} : vector<64x16xi32> to vector<64x1xi32>
      %broadcast_in_dim3A_309 = vector.shape_cast %slice3A_308 : vector<64x1xi32> to vector<64x1xi32>
      %broadcast_in_dim3A_310 = vector.broadcast %broadcast_in_dim3A_309 : vector<64x1xi32> to vector<64x16xi32>
      %select_n3A_311 = arith.select %eq3A_307, %broadcast_in_dim3A_310, %select_n3A_304 : vector<64x16xi1>, vector<64x16xi32>
      %eq3A_312 = arith.constant 15 : i32
      %eq3A_313 = vector.broadcast %eq3A_312 : i32 to vector<64x16xi32>
      %eq3A_314 = arith.cmpi eq, %sub3A_192, %eq3A_313 : vector<64x16xi32>
      %slice3A_315 = vector.extract_strided_slice %get3A_205 {offsets = [0, 15], sizes = [64, 1], strides = [1, 1]} : vector<64x16xi32> to vector<64x1xi32>
      %broadcast_in_dim3A_316 = vector.shape_cast %slice3A_315 : vector<64x1xi32> to vector<64x1xi32>
      %broadcast_in_dim3A_317 = vector.broadcast %broadcast_in_dim3A_316 : vector<64x1xi32> to vector<64x16xi32>
      %select_n3A_318 = arith.select %eq3A_314, %broadcast_in_dim3A_317, %select_n3A_311 : vector<64x16xi1>, vector<64x16xi32>
      %select_n3A_319 = arith.select %ge3A_195, %add3A_202, %select_n3A_318 : vector<64x16xi1>, vector<64x16xi32>
      %swap3A = arith.constant 0 : index
      %swap3A_320 = arith.constant 0 : index
      %swap3A_321 = vector.load %arg7[%swap3A, %swap3A_320] : memref<64x16xi32, #tpu.memory_space<vmem>>, vector<64x16xi32>
      tpu.vector_store %arg7[%swap3A, %swap3A_320], %select_n3A_319 {strides = array<i32>} : memref<64x16xi32, #tpu.memory_space<vmem>>, vector<64x16xi32>,
      %and3A_322 = arith.constant -4096 : i32
      %and3A_323 = vector.broadcast %and3A_322 : i32 to vector<64x16xi32>
      %and3A_324 = arith.andi %concatenate3A_186, %and3A_323 : vector<64x16xi32>
      %lt3A_325 = arith.constant 0 : i32
      %lt3A_326 = vector.broadcast %lt3A_325 : i32 to vector<64x16xi32>
      %lt3A_327 = arith.cmpi slt, %and3A_324, %lt3A_326 : vector<64x16xi32>
      %xor3A_328 = arith.constant 2147483647 : i32
      %xor3A_329 = vector.broadcast %xor3A_328 : i32 to vector<64x16xi32>
      %xor3A_330 = arith.xori %and3A_324, %xor3A_329 : vector<64x16xi32>
      %select_n3A_331 = arith.select %lt3A_327, %xor3A_330, %and3A_324 : vector<64x16xi1>, vector<64x16xi32>
      %bitcast_convert_type3A_332 = tpu.bitcast %select_n3A_331 : vector<64x16xi32> -> vector<64x16xf32>
      %swap3A_333 = arith.constant 0 : index
      %swap3A_334 = arith.constant 0 : index
      %swap3A_335 = vector.load %arg6[%swap3A_333, %swap3A_334] : memref<64x16xf32, #tpu.memory_space<vmem>>, vector<64x16xf32>
      tpu.vector_store %arg6[%swap3A_333, %swap3A_334], %bitcast_convert_type3A_332 {strides = array<i32>} : memref<64x16xf32, #tpu.memory_space<vmem>>, vector<64x16xf32>,
      %eq3A_336 = arith.constant 48 : i32
      %eq3A_337 = arith.cmpi eq, %sub3A_6, %eq3A_336 : i32
      %convert_element_type3A_338 = arith.extui %eq3A_337 : i1 to i32
      %cond3A_339 = arith.constant 0 : i32
      %cond3A_340 = arith.cmpi ne, %convert_element_type3A_338, %cond3A_339 : i32
      scf.if %cond3A_340 {
        %get3A_341 = arith.constant 0 : index
        %get3A_342 = arith.constant 0 : index
        %get3A_343 = vector.load %arg7[%get3A_341, %get3A_342] : memref<64x16xi32, #tpu.memory_space<vmem>>, vector<64x16xi32>
        %broadcast_in_dim3A_344 = arith.constant 0 : i32
        %broadcast_in_dim3A_345 = vector.broadcast %broadcast_in_dim3A_344 : i32 to vector<64x112xi32>
        %concatenate3A_346 = tpu.concatenate %get3A_343, %broadcast_in_dim3A_345 in 1 : vector<64x16xi32>, vector<64x112xi32> -> vector<64x128xi32>
        %swap3A_347 = arith.constant 0 : index
        %swap3A_348 = arith.constant 0 : index
        %swap3A_349 = vector.load %arg3[%swap3A_347, %swap3A_348] : memref<64x128xi32, #tpu.memory_space<vmem>>, vector<64x128xi32>
        tpu.vector_store %arg3[%swap3A_347, %swap3A_348], %concatenate3A_346 {strides = array<i32>} : memref<64x128xi32, #tpu.memory_space<vmem>>, vector<64x128xi32>,
      } else {
      }
    } else {
    }
    return
  }
  func.func @transform_0(%arg0: i32) -> (i32, i32) {
    %sub3A = arith.constant 32 : i32
    %sub3A_0 = arith.subi %arg0, %sub3A : i32
    %max3A = arith.constant 0 : i32
    %max3A_1 = arith.maxsi %sub3A_0, %max3A : i32
    %c0_i32 = arith.constant 0 : i32
    %c0_i32_2 = arith.constant 0 : i32
    return %max3A_1, %c0_i32 : i32, i32
  }
  func.func @transform_1(%arg0: i32) -> (i32, i32, i32) {
    %min3A = arith.constant 31 : i32
    %min3A_0 = arith.minsi %arg0, %min3A : i32
    %c0_i32 = arith.constant 0 : i32
    %c0_i32_1 = arith.constant 0 : i32
    %c0_i32_2 = arith.constant 0 : i32
    return %c0_i32, %min3A_0, %c0_i32_1 : i32, i32, i32
  }
  func.func @transform_2(%arg0: i32) -> (i32, i32) {
    %c0_i32 = arith.constant 0 : i32
    %c0_i32_0 = arith.constant 0 : i32
    %c0_i32_1 = arith.constant 0 : i32
    return %c0_i32, %c0_i32_0 : i32, i32
  }
  func.func @transform_3(%arg0: i32) -> (i32, i32, i32) {
    %min3A = arith.constant 31 : i32
    %min3A_0 = arith.minsi %arg0, %min3A : i32
    %add3A = arith.constant 1 : i32
    %add3A_1 = arith.addi %min3A_0, %add3A : i32
    %c0_i32 = arith.constant 0 : i32
    %c0_i32_2 = arith.constant 0 : i32
    %c0_i32_3 = arith.constant 0 : i32
    return %c0_i32, %add3A_1, %c0_i32_2 : i32, i32, i32
  }
}

</mosaic_0001>

<sc_bundles>
// kernel: kernel.5.cloned.1.call-start
scs
__scs_entry_jumppad:
0x0: {  	(pc) =	sbr.rel $0x88, $3  }
0x1: {  	(tag) =	ssettag $0x0;
	lr =	simm.s32 $0x1  }
0x2: {  	[smem:$0x3F9F] =	sst lr;
	_ =	strace $0xD0000000  }
0x3: {  	_ = 	snop  }
0x4: {  	_ = 	snop  }
0x5: {  	_ = 	snop  }
0x6: {  	_ = 	snop  }
0x7: {  	_ = 	snop  }
__scs_overlays_trampoline_lowered:
0x8: {  	[smem:$0x3FAE] =	sst s0  }
0x9: {  	[smem:$0x3FAF] =	sst s1  }
0xa: {  	[smem:$0x3FB0] =	sst s2  }
0xb: {  	[smem:$0x3FB1] =	sst s3  }
0xc: {  	[smem:$0x3FB2] =	sst s4  }
0xd: {  	[smem:$0x3FB3] =	sst s5  }
0xe: {  	[smem:$0x3FB4] =	sst s6  }
0xf: {  	[smem:$0x3FB5] =	sst s7  }
0x10: {  	[smem:$0x3FB6] =	sst s8  }
0x11: {  	[smem:$0x3FB7] =	sst s9;
	s0 =	simm.s32 @!p0 $0x0  }
0x12: {  	s1 =	sld [smem:$0x3F9D];
	s0 =	simm.s32 @p0 $0x1  }
0x13: {  	[smem:$0x3FB8] =	sst s0;
	s0 =	simm.s32 @!p1 $0x0  }
0x14: {  	s2 =	sld [smem:$0x3F9C];
	s0 =	simm.s32 @p1 $0x1  }
0x15: {  	[smem:$0x3FB9] =	sst s0;
	s0 =	simm.s32 @!p2 $0x0  }
0x16: {  	s3 =	sld [smem:$0x3FDB];
	s0 =	simm.s32 @p2 $0x1  }
0x17: {  	s4 =	simm.s32 $0x1BF5;
	[smem:$0x3FBB] =	sst s0  }
0x18: {  	s0 =	sld [smem:$0x3F9E];
	_ =	swait.ge [sflag:s4], $0x0  }
0x19: {  	s7 =	sld [smem:$0x3F9F]  }
0x1a: {  	s8 =	sadd.s32 $0xFFFFE003, lr  }
0x1b: {  	s9 =	sadd.s32 $0xFFFFFEF7, lr;
	s5 =	simm.s32 $0xFFFFFFFF;
	p2 =	slt.u32 s8, $0xFFFFF086  }
0x1c: {  	p1 =	slt.u32 s9, $0xF7A;
	s5 =	simm.s32 @!p2 $0x0  }
0x1d: {  	s5 =	simm.s32 @p1 $0x1;
	p0 =	seq.s32 s7, s2  }
0x1e: {  	s7 =	smul.u32 @!p0 $0xF7A, s2;
	p2 =	seq.s32 @!p0 s5, $0x0  }
0x1f: {  	s9 =	smul.u32 $0xF7A, s1;
	s8 =	simm.s32 @!p0 $0x1BF5;
	p2 =	por !p2, p0  }
0x20: {  	[sflag:s8] =	ssyncset.s32 @!p0 $0xFFFFF086;
	s6 =	sadd.s32 @!p0 s3, s7;
	s7 =	simm.s32 @!p0 $0x108  }
0x21: {  	s3 =	sadd.s32 s3, s9;
	s6 =	sadd.s32 @!p0 $0x88, s6;
	s7 =	simm.s32 @p2 $0x1082  }
0x22: {  	[simem:s7], [sflag:s8] =	dma.local @!p0 [hbm:s6], $0xF7A  }
0x23: {  	s9 =	sor.u32 $0xD0000000, s2;
	s6 =	simm.s32 $0x108;
	_ =	swait.ge @!p0 [sflag:s8], $0x0  }
0x24: {  	s3 =	sadd.s32 $0x88, s3;
	s6 =	simm.s32 @!p1 $0x1082;
	[sflag:s4] =	ssyncset.s32 $0xFFFFF086  }
0x25: {  	[simem:s6], [sflag:s4] =	dma.local [hbm:s3], $0xF7A  }
0x26: {  	[smem:$0x3F9F] =	sst s1;
	(tag) =	ssettag s2;
	_ =	strace s9  }
0x27: {  	s1 =	sld [smem:$0x3FAF]  }
0x28: {  	s2 =	sld [smem:$0x3FB0]  }
0x29: {  	s4 =	sld [smem:$0x3FB2]  }
0x2a: {  	p0 =	seq.s32 s5, $0x0;
	s5 =	sld [smem:$0x3FB3]  }
0x2b: {  	s6 =	sld [smem:$0x3FB4]  }
0x2c: {  	s7 =	sld [smem:$0x3FB5]  }
0x2d: {  	s3 =	simm.s32 $0x108;
	s8 =	sld [smem:$0x3FB6]  }
0x2e: {  	s3 =	simm.s32 @!p0 $0x1082;
	s9 =	sld [smem:$0x3FB7]  }
0x2f: {  	lr =	sadd.s32 s0, s3;
	s0 =	sld [smem:$0x3FAE]  }
0x30: {  	s3 =	sld [smem:$0x3FB1]  }
0x31: {  	[smem:$0x3FBA] =	sst s10  }
0x32: {  	s10 =	sld [smem:$0x3FB8];
	_ =	sdelay $0x3  }
0x33: {  	p0 =	seq.s32 s10, $0x1;
	s10 =	sld [smem:$0x3FBA];
	_ =	sdelay $0x3  }
0x34: {  	[smem:$0x3FBA] =	sst s10  }
0x35: {  	s10 =	sld [smem:$0x3FB9];
	_ =	sdelay $0x3  }
0x36: {  	p1 =	seq.s32 s10, $0x1;
	s10 =	sld [smem:$0x3FBA];
	_ =	sdelay $0x3  }
0x37: {  	[smem:$0x3FBA] =	sst s10  }
0x38: {  	s10 =	sld [smem:$0x3FBB]  }
0x39: {  	_ = 	snop;
	(pc) =	sbr.ind lr, $3  }
0x3a: {  	_ = 	snop  }
0x3b: {  	_ = 	snop  }
0x3c: {  	p2 =	seq.s32 s10, $0x1;
	s10 =	sld [smem:$0x3FBA]  }
0x3d: {  	_ =	shalt  }
0x3e: {  	_ =	shalt  }
0x3f: {  	_ =	shalt  }
0x40: {  	_ =	shalt  }
0x41: {  	_ =	shalt  }
0x42: {  	_ =	shalt  }
0x43: {  	_ =	shalt  }
0x44: {  	_ =	shalt  }
0x45: {  	_ =	shalt  }
0x46: {  	_ =	shalt  }
0x47: {  	_ =	shalt  }
0x48: {  	_ =	shalt  }
0x49: {  	_ =	shalt  }
0x4a: {  	_ =	shalt  }
0x4b: {  	_ =	shalt  }
0x4c: {  	_ =	shalt  }
0x4d: {  	_ =	shalt  }
0x4e: {  	_ =	shalt  }
0x4f: {  	_ =	shalt  }
0x50: {  	_ =	shalt  }
0x51: {  	_ =	shalt  }
0x52: {  	_ =	shalt  }
0x53: {  	_ =	shalt  }
0x54: {  	_ =	shalt  }
0x55: {  	_ =	shalt  }
0x56: {  	_ =	shalt  }
0x57: {  	_ =	shalt  }
0x58: {  	_ =	shalt  }
0x59: {  	_ =	shalt  }
0x5a: {  	_ =	shalt  }
0x5b: {  	_ =	shalt  }
0x5c: {  	_ =	shalt  }
0x5d: {  	_ =	shalt  }
0x5e: {  	_ =	shalt  }
0x5f: {  	_ =	shalt  }
0x60: {  	_ =	shalt  }
0x61: {  	_ =	shalt  }
0x62: {  	_ =	shalt  }
0x63: {  	_ =	shalt  }
0x64: {  	_ =	shalt  }
0x65: {  	_ =	shalt  }
0x66: {  	_ =	shalt  }
0x67: {  	_ =	shalt  }
0x68: {  	_ =	shalt  }
0x69: {  	_ =	shalt  }
0x6a: {  	_ =	shalt  }
0x6b: {  	_ =	shalt  }
0x6c: {  	_ =	shalt  }
0x6d: {  	_ =	shalt  }
0x6e: {  	_ =	shalt  }
0x6f: {  	_ =	shalt  }
0x70: {  	_ =	shalt  }
0x71: {  	_ =	shalt  }
0x72: {  	_ =	shalt  }
0x73: {  	_ =	shalt  }
0x74: {  	_ =	shalt  }
0x75: {  	_ =	shalt  }
0x76: {  	_ =	shalt  }
0x77: {  	_ =	shalt  }
0x78: {  	_ =	shalt  }
0x79: {  	_ =	shalt  }
0x7a: {  	_ =	shalt  }
0x7b: {  	_ =	shalt  }
0x7c: {  	_ =	shalt  }
0x7d: {  	_ =	shalt  }
0x7e: {  	_ =	shalt  }
0x7f: {  	_ =	shalt  }
0x80: {  	_ =	shalt  }
0x81: {  	_ =	shalt  }
0x82: {  	_ =	shalt  }
0x83: {  	_ =	shalt  }
0x84: {  	_ =	shalt  }
0x85: {  	_ =	shalt  }
0x86: {  	_ =	shalt  }
0x87: {  	_ =	shalt  }
.Lfunc_end0:
.L_simem_size_0:
called_computation_lowered:
.L_overlay_start_0:
0x88: {  	s2 =	sld [smem:$0x3FD9]  }
0x89: {  	s3 =	sld [smem:$0x3FFE];
	_ =	sdelay $0x1  }
0x8a: {  	s1 =	srdreg.scid  }
0x8b: {  	s0 =	sand.u32 $0x1, s1  }
0x8c: {  	s17 =	sshll.u32 s0, $0xA;
	s2 =	sadd.s32 s3, s2  }
0x8d: {  	s2 =	sadd.s32 s2, s17  }
0x8e: {  	[smem:$0x3FC6] =	sst s2  }
0x8f: {  	_ = 	snop  }
0x90: {  	s2 =	sld [smem:$0x3FC8];
	(tm) =	ssettm $0x1  }
0x91: {  	s18 =	sld [smem:$0x3FFB];
	_ =	sdelay $0x3  }
0x92: {  	_ =	strace s18  }
0x93: {  	s3 =	sld [smem:$0x3FFC];
	_ =	sdelay $0x3  }
0x94: {  	_ =	strace s3  }
0x95: {  	s3 =	sld [smem:$0x3FFD];
	_ =	sdelay $0x3  }
0x96: {  	_ =	strace s3  }
0x97: {  	_ =	strace $0x8FFFFFFF  }
0x98: {  	s19 =	sld [smem:$0x3FDB];
	_ =	sdelay $0x1  }
0x99: {  	s4 =	simm.s32 $_scs_section_size  }
0x9a: {  	s5 =	simm.s32 $_size__tile_overlayer_lowered;
	s6 =	simm.s32 $_tile_overlayer_lowered  }
0x9b: {  	s22 =	simm.s32 $0x1BFF;
	s21 =	sshll.u32 s6, $0x1;
	s3 =	sadd.s32 s4, s19  }
0x9c: {  	s7 =	simm.s32 $0x0;
	s20 =	sshll.u32 s5, $0x1;
	s5 =	sadd.s32 s21, s3  }
0x9d: {  	[timem:s7], [sflag:s22] =	dma.local [hbm:s5], s20  }
0x9e: {  	_ =	swait.ge [sflag:s22], s20  }
0x9f: {  	s4 =	ssub.s32 $0x0, s20;
	[sflag:s22] =	ssyncset.done $0x0  }
0xa0: {  	[sflag:s22] =	ssyncadd.s32 s4;
	_ =	sdelay $0x1  }
0xa1: {  	s23 =	simm.s32 $0x1B8B  }
0xa2: {  	_ =	swait.ge [sflag:s23], $0x1  }
0xa3: {  	[sflag:s23] =	ssyncset.done $0x0  }
0xa4: {  	s25 =	simm.s32 $0x1B8E;
	s24 =	sld [smem:$0x3FFE];
	[sflag:s23] =	ssyncadd.s32 $0xFFFFFFFF  }
0xa5: {  	s26 =	simm.s32 $execute0_lowered;
	[smem:$0x3FD2] =	sst s25  }
0xa6: {  	s5 =	sshll.u32 s26, $0x1;
	_ =	strace $0x80000046;
	[dreg:$0x1] =	wrdreg $0xFFFFFFFF  }
0xa7: {  	s28 =	simm.s32 $_size_execute0_lowered;
	s3 =	sadd.s32 s3, s5;
	[dreg:$0x0] =	wrdreg $0x0  }
0xa8: {  	s5 =	sshll.u32 s28, $0x1;
	[dreg:$0x2] =	wrdreg s3  }
0xa9: {  	[dreg:$0x3] =	wrdreg s5  }
0xaa: {  	[dreg:$0x4] =	wrdreg $0xC0  }
0xab: {  	_ =	task [dreg:s7], $0x5FFFF  }
0xac: {  	[dreg:$0x1] =	wrdreg $0xFFFFFFFF  }
0xad: {  	[dreg:$0x0] =	wrdreg $0x60  }
0xae: {  	[dreg:$0x2] =	wrdreg s2  }
0xaf: {  	[dreg:$0x3] =	wrdreg s24  }
0xb0: {  	[dreg:$0x4] =	wrdreg $0x9  }
0xb1: {  	_ =	task.clear_ibuf [dreg:s7], $0x5FFFF;
	_ =	strace $0x90000046  }
0xb2: {  	s29 =	simm.s32 $0x9;
	_ =	strace $0x80000048  }
0xb3: {  	_ =	swait.ge [sflag:s29], $0x1  }
0xb4: {  	[sflag:s29] =	ssyncadd.s32 $0xFFFFFFFF  }
0xb5: {  	_ =	strace $0x90000048  }
0xb6: {  	_ =	sfence  }
0xb7: {  	s30 =	sld [smem:$0x0];
	_ =	sdelay $0x2  }
0xb8: {  	s31 =	sshll.u32 s1, $0xD;
	s1 =	sshrl.u32 s1, $0x2  }
0xb9: {  	s3 =	sand.u32 $0x4000, s31;
	s1 =	sadd.s32 s1, s30  }
0xba: {  	s0 =	sor.u32 s3, s0;
	s1 =	sshll.u32 s1, $0x11  }
0xbb: {  	s0 =	sor.u32 s1, s0  }
0xbc: {  	s0 =	sadd.s32 $0x8F2B, s0  }
0xbd: {  	[sflag:s0] =	ssyncadd.remote.s32 $0x1  }
0xbe: {  	_ =	sfence.sel $0xFFFF  }
0xbf: {  	[dreg:$0x0] =	wrdreg $0xFFFFFFFF;
	(pc) =	sbr.abs _section_cstart, $3  }
0xc0: {  	[dreg:$0x1] =	wrdreg $0xFFFFFFFF  }
0xc1: {  	_ =	task.clear_ibuf [dreg:s7], $0x2FFFF;
	_ =	strace $0x9FFFFFFF  }
0xc2: {  	(tm) =	ssettm $0x7FFFFFFF  }
0xc3: {  	_ =	shalt  }
tec
execute0_lowered:
.L_overlay_start_1:
0x0: {  	(tag) =	ssettag $0x1  }
0x1: {  	s1 =	srdreg.scid;
	s2 =	rddreg [dreg:$0x0]  }
0x2: {  	s0 =	stileid.u32;
	s5 =	rddreg [dreg:$0x1]  }
0x3: {  	s3 =	simm.s32 $0x0;
	s9 =	simm.s32 $0x2;
	s10 =	simm.s32 $0x80  }
0x4: {  	s11 =	simm.s32 $0x880;
	s12 =	simm.s32 $0x1080;
	s13 =	simm.s32 $0x1880  }
0x5: {  	s14 =	simm.s32 $0x2080;
	s15 =	simm.s32 $0x2880;
	s16 =	simm.s32 $0x3080  }
0x6: {  	s17 =	simm.s32 $0x3880;
	s18 =	simm.s32 $0x4080;
	s19 =	simm.s32 $0x4880  }
0x7: {  	s20 =	simm.s32 $0x5080;
	s21 =	simm.s32 $0x5880;
	s4 =	sand.u32 $0x1, s1  }
0x8: {  	s22 =	simm.s32 $0x1;
	s6 =	sshll.u32 s0, $0x3;
	s7 =	sshll.u32 s4, $0x2  }
0x9: {  	s1 =	rddreg [dreg:$0x2];
	s4 =	ssub.s32 $0x2, s4;
	s6 =	sor.u32 s7, s6  }
0xa: {  	[smem:$0x7FF] =	sst s3;
	s8 =	sshrl.u32 s4, $0x1;
	s7 =	smul.u32 $0x300, s6  }
0xb: {  	v2 =	vlaneseq.u32;
	_ =	strace $0x80000047;
	s6 =	sadd.s32 s6, s5;
	s8 =	ssub.s32 s4, s8  }
0xc: {  	vm0 =	vmmov $0xffff;
	v1 =	vshrl.u32 v2, $0x3;
	s4 =	sadd.s32 $0x800, s6;
	s6 =	sadd.s32 $0x200, s2;
	s7 =	sadd.s32 s7, s5  }
0xd: {  	v0 =	vand.u32 $0x7, v2;
	v2 =	vor.u32 $0x8, v2;
	v1 =	vmul.u32 $0x8, v1;
	s8 =	smax.u32 s8, $0x1;
	s5 =	sadd.s32 $0x100, s2;
	s7 =	sadd.s32 $0xA00, s7  }
.LBB2_1:
0xe: {  	[tilespmem:s3], [sflag:$0x2] =	stream.linear.gather [hbm4b:s4+s3], $0x20, $0x38;
	[tilespmem:$0x6080] =	vst v63  }
0xf: {  	_ =	swait.ge [sflag:s9], $0x20  }
0x10: {  	[sflag:s9] =	ssyncset.done $0x0  }
0x11: {  	[sflag:s9] =	ssyncadd.s32 $0xFFFFFFE0  }
0x12: {  	v3 =	vld [tilespmem:$0x0];
	_ =	sdelay $0x4  }
0x13: {  	v4 =	vshrl.u32 v3, $0x3  }
0x14: {  	v4 =	vmul.u32 $0x30, v4  }
0x15: {  	v3 =	vand.u32 $0x7, v3  }
0x16: {  	v3 =	vor.u32 v3, v4  }
0x17: {  	v4 =	vperm.xlane v3, v0;
	_ =	sdelay $0x1  }
0x18: {  	v4 =	vadd.s32 v1, v4;
	_ =	sdelay $0x3  }
0x19: {  	v3 =	vperm.xlane v3, v2  }
0x1a: {  	[tilespmem:s10], [sflag:$0x1] =	stream.indirect_vreg.gather [hbm4b:s2+s3], $0x80, v4, vm0, $0xb8;
	[tilespmem:$0x6080] =	vst v63  }
0x1b: {  	v3 =	vadd.s32 v1, v3  }
0x1c: {  	[tilespmem:s11], [sflag:$0x1] =	stream.indirect_vreg.gather [hbm4b:s5+s3], $0x80, v4, vm0, $0xb8;
	[tilespmem:$0x6080] =	vst v63  }
0x1d: {  	_ = 	snop  }
0x1e: {  	[tilespmem:s12], [sflag:$0x1] =	stream.indirect_vreg.gather [hbm4b:s6+s3], $0x80, v4, vm0, $0xb8;
	[tilespmem:$0x6080] =	vst v63  }
0x1f: {  	_ = 	snop  }
0x20: {  	[tilespmem:s13], [sflag:$0x1] =	stream.indirect_vreg.gather [hbm4b:s2+s3], $0x80, v3, vm0, $0xb8;
	[tilespmem:$0x6080] =	vst v63  }
0x21: {  	_ = 	snop  }
0x22: {  	[tilespmem:s14], [sflag:$0x1] =	stream.indirect_vreg.gather [hbm4b:s5+s3], $0x80, v3, vm0, $0xb8;
	[tilespmem:$0x6080] =	vst v63  }
0x23: {  	_ = 	snop  }
0x24: {  	[tilespmem:s15], [sflag:$0x1] =	stream.indirect_vreg.gather [hbm4b:s6+s3], $0x80, v3, vm0, $0xb8;
	[tilespmem:$0x6080] =	vst v63  }
0x25: {  	v3 =	vld [tilespmem:$0x10];
	_ =	sdelay $0x4  }
0x26: {  	v63 =	vshrl.u32 v3, $0x3  }
0x27: {  	v4 =	vmul.u32 $0x30, v63  }
0x28: {  	v3 =	vand.u32 $0x7, v3  }
0x29: {  	v3 =	vor.u32 v3, v4  }
0x2a: {  	v4 =	vperm.xlane v3, v0;
	_ =	sdelay $0x1  }
0x2b: {  	v4 =	vadd.s32 v1, v4;
	_ =	sdelay $0x3  }
0x2c: {  	v3 =	vperm.xlane v3, v2  }
0x2d: {  	[tilespmem:s16], [sflag:$0x1] =	stream.indirect_vreg.gather [hbm4b:s2+s3], $0x80, v4, vm0, $0xb8;
	[tilespmem:$0x6080] =	vst v63  }
0x2e: {  	v3 =	vadd.s32 v1, v3  }
0x2f: {  	[tilespmem:s17], [sflag:$0x1] =	stream.indirect_vreg.gather [hbm4b:s5+s3], $0x80, v4, vm0, $0xb8;
	[tilespmem:$0x6080] =	vst v63  }
0x30: {  	_ = 	snop  }
0x31: {  	[tilespmem:s18], [sflag:$0x1] =	stream.indirect_vreg.gather [hbm4b:s6+s3], $0x80, v4, vm0, $0xb8;
	[tilespmem:$0x6080] =	vst v63  }
0x32: {  	_ = 	snop  }
0x33: {  	[tilespmem:s19], [sflag:$0x1] =	stream.indirect_vreg.gather [hbm4b:s2+s3], $0x80, v3, vm0, $0xb8;
	[tilespmem:$0x6080] =	vst v63  }
0x34: {  	_ = 	snop  }
0x35: {  	[tilespmem:s20], [sflag:$0x1] =	stream.indirect_vreg.gather [hbm4b:s5+s3], $0x80, v3, vm0, $0xb8;
	[tilespmem:$0x6080] =	vst v63  }
0x36: {  	_ = 	snop  }
0x37: {  	[tilespmem:s21], [sflag:$0x1] =	stream.indirect_vreg.gather [hbm4b:s6+s3], $0x80, v3, vm0, $0xb8;
	[tilespmem:$0x6080] =	vst v63  }
0x38: {  	_ =	swait.ge [sflag:s22], $0x6000  }
0x39: {  	p0 =	sne.s32 s8, $0x1;
	[sflag:s22] =	ssyncset.done $0x0  }
.Ltmp0:
0x3a: {  	[sflag:s22] =	ssyncadd.s32 $0xFFFFA000;
	(pc) =	sbr.rel @p0 .LBB2_1-.Ltmp0, $4  }
0x3b: {  	[hbm4b:s7+s3] =	stream.linear.scatter [tilespmem:s10], [sflag:$0x2], $0x6000, $0x38;
	[tilespmem:$0x6080] =	vst v63  }
0x3c: {  	_ =	swait.ge [sflag:s9], $0x6000  }
0x3d: {  	[sflag:s9] =	ssyncset.done $0x0  }
0x3e: {  	s8 =	sadd.s32 $0xFFFFFFFF, s8;
	[sflag:s9] =	ssyncadd.s32 $0xFFFFA000  }
0x3f: {  	_ =	sfence.sel $0x180000  }
0x40: {  	[bflag:$0x0] =	sbarrier.arrive $0xFFFF  }
0x41: {  	p0 =	sne.s32 s0, $0x0;
	_ =	strace $0x90000047  }
0x42: {  	s0 =	sadd.s32 @!p0 $0x100000, s1;
	[bflag:$0x2] =	sbarrier.arrive $0xFFFF  }
0x43: {  	[sflag:s0] =	ssyncadd.tile.s32 @!p0 $0x1;
	_ =	shalt  }
.Lfunc_end2:
_tile_overlayer_lowered:
.L_overlay_start_2:
0x44: {  	(tag) =	ssettag $0x2  }
0x45: {  	s0 =	rddreg [dreg:$0x0];
	s2 =	stileid.u32  }
0x46: {  	s1 =	rddreg [dreg:$0x1];
	p0 =	sne.s32 s2, $0x0  }
0x47: {  	s3 =	rddreg [dreg:$0x2];
	[bflag:$0x3] =	sbarrier.arrive $0xFFFF;
	s2 =	simm.s32 @!p0 $0x1C02  }
0x48: {  	[timem:s3], [sflag:s2] =	dma.local @!p0 [hbm:s0], s1  }
0x49: {  	s0 =	simm.s32 @!p0 $0x2  }
0x4a: {  	_ =	swait.ge @!p0 [sflag:s0], s1  }
0x4b: {  	s1 =	ssub.s32 @!p0 $0x0, s1;
	[sflag:s0] =	ssyncset.done @!p0 $0x0  }
0x4c: {  	[sflag:s0] =	ssyncadd.s32 @!p0 s1  }
0x4d: {  	[bflag:$0x3] =	sbarrier.arrive $0xFFFF  }
0x4e: {  	_ =	shalt  }

</sc_bundles>
